<compile_context>
chip_gen: v7x
topology: tpu7x:2x2x1
jax: 0.10.2.dev20260603
libtpu: 0.0.44.dev20260713+nightly
codegen_flags: <defaults>
</compile_context>

<pallas_src>
import functools

import jax
import jax.numpy as jnp
from jax import lax
from jax.experimental import pallas as pl
from jax.experimental.pallas import tpu as pltpu
from jax.experimental.pallas import tpu_sc as plsc

NC = 2
NS = 16
NW = NC * NS
L = 16

B = 16384
D = 16
BPW = B // NW
IDXC = 128
KCH = BPW // IDXC


def _body(users_r, items_r, ut_r, it_r, out_r,
          uidx, iidx, urows, irows, outv, sem):
    w = lax.axis_index("s") * NC + lax.axis_index("c")
    base = w * BPW

    pltpu.sync_copy(users_r.at[pl.ds(base, BPW)], uidx)
    pltpu.sync_copy(items_r.at[pl.ds(base, BPW)], iidx)

    handles = []
    for k in range(KCH):
        sl = pl.ds(k * IDXC, IDXC)
        handles.append(pltpu.async_copy(
            ut_r.at[uidx.at[sl]], urows.at[pl.ds(k * IDXC, IDXC), :], sem))
        handles.append(pltpu.async_copy(
            it_r.at[iidx.at[sl]], irows.at[pl.ds(k * IDXC, IDXC), :], sem))
    for h in handles:
        h.wait()

    iota = lax.iota(jnp.int32, L)

    def group(g, carry):
        row_idx = iota + g * L
        acc = jnp.zeros((L,), jnp.float32)
        for d in range(D):
            dcol = jnp.full((L,), d, jnp.int32)
            u = plsc.load_gather(urows, [row_idx, dcol])
            v = plsc.load_gather(irows, [row_idx, dcol])
            acc = acc + u * v
        outv[pl.ds(g * L, L)] = acc
        return carry

    lax.fori_loop(0, BPW // L, group, 0)

    pltpu.sync_copy(outv, out_r.at[pl.ds(base, BPW)])


@functools.partial(
    pl.kernel,
    out_type=jax.ShapeDtypeStruct((B,), jnp.float32),
    mesh=plsc.VectorSubcoreMesh(core_axis_name="c", subcore_axis_name="s"),
    compiler_params=pltpu.CompilerParams(
        needs_layout_passes=False, use_tc_tiling_on_sc=False),
    scratch_types=[
        pltpu.VMEM((BPW,), jnp.int32),
        pltpu.VMEM((BPW,), jnp.int32),
        pltpu.VMEM((BPW, D), jnp.float32),
        pltpu.VMEM((BPW, D), jnp.float32),
        pltpu.VMEM((BPW,), jnp.float32),
        pltpu.SemaphoreType.DMA,
    ],
)
def _sc_kernel(users_r, items_r, ut_r, it_r, out_r,
               uidx, iidx, urows, irows, outv, sem):
    _body(users_r, items_r, ut_r, it_r, out_r,
          uidx, iidx, urows, irows, outv, sem)


def kernel(users, items, users_table, items_table):
    out = _sc_kernel(users.astype(jnp.int32), items.astype(jnp.int32),
                     users_table, items_table)
    return out.reshape(B, 1)

# --- scband reference (transcript-rebuilt; emitter-appended) ---
"""Pipeline reference for scband-virtue-22136261444341 (READ-ONLY COPY).

The authoritative reference and input builder live on the scoring server;
editing this copy changes nothing except your own understanding.
"""

import jax, jax.numpy as jnp
import numpy as np

NUM_USERS = 1000000
NUM_ITEMS = 1000000
EMBED_DIM = 16
BATCH = 16384

def setup_inputs(seed: int = 0) -> dict:
    key = jax.random.key(seed)
    k1, k2, k3, k4 = jax.random.split(key, 4)
    users = jax.random.randint(k1, (BATCH,), 0, NUM_USERS, dtype=jnp.int64 if jax.config.jax_enable_x64 else jnp.int32)
    items = jax.random.randint(k2, (BATCH,), 0, NUM_ITEMS, dtype=jnp.int64 if jax.config.jax_enable_x64 else jnp.int32)
    users_table = jax.random.normal(k3, (NUM_USERS, EMBED_DIM), dtype=jnp.float32)
    items_table = jax.random.normal(k4, (NUM_ITEMS, EMBED_DIM), dtype=jnp.float32)
    return {"users": users, "items": items, "users_table": users_table, "items_table": items_table}

def reference(users, items, users_table, items_table):
    # Embedding lookups (gathers) -- the core SparseCore-mappable ops
    user_emb = jnp.take(users_table, users, axis=0)   # [B, D]
    item_emb = jnp.take(items_table, items, axis=0)   # [B, D]
    # Matrix-factorization style inference score, shaped [B, 1] to match compute_loss
    inferences = jnp.sum(user_emb * item_emb, axis=-1, keepdims=True)
    return inferences

if __name__ == "__main__":
    import jax
    _d = setup_inputs()
    print(jax.jit(kernel)(*tuple(_d.values())))

</pallas_src>

<mosaic_0001>
#map = affine_map<(d0, d1) -> (0)>
#map1 = affine_map<(d0, d1) -> (0, 0)>
module attributes {stable_mosaic.version = 14 : i64} {
  func.func @_sc_kernel(%arg0: i32, %arg1: i32, %arg2: memref<16384xi32, #tpu.memory_space<hbm>>, %arg3: memref<16384xi32, #tpu.memory_space<hbm>>, %arg4: memref<1000000x16xf32, #tpu.memory_space<hbm>>, %arg5: memref<1000000x16xf32, #tpu.memory_space<hbm>>, %arg6: memref<16384xf32, #tpu.memory_space<hbm>>, %arg7: memref<512xi32, #tpu.memory_space<vmem>>, %arg8: memref<512xi32, #tpu.memory_space<vmem>>, %arg9: memref<512x16xf32, #tpu.memory_space<vmem>>, %arg10: memref<512x16xf32, #tpu.memory_space<vmem>>, %arg11: memref<512xf32, #tpu.memory_space<vmem>>, %arg12: memref<!tpu.dma_semaphore, #tpu.memory_space<semaphore_mem>>) attributes {dimension_semantics = [#tpu.dimension_semantics<core_parallel>, #tpu.dimension_semantics<subcore_parallel>], iteration_bounds = array<i64: 2, 16>, scalar_prefetch = 0 : i64, scratch_operands = 6 : i64, tpu.core_type = #tpu.core_type<sc_vector_subcore>, window_params = [{transform_indices = #map}, {transform_indices = #map}, {transform_indices = #map1}, {transform_indices = #map1}, {transform_indices = #map}]} {
    %mul3A = arith.constant 2 : i32
    %mul3A_0 = arith.muli %arg1, %mul3A : i32
    %add3A = arith.addi %mul3A_0, %arg0 : i32
    %mul3A_1 = arith.constant 512 : i32
    %mul3A_2 = arith.muli %add3A, %mul3A_1 : i32
    "tpu.region"() ({
      %run_scoped3A = tpu.sem_alloc : memref<!tpu.dma_semaphore, #tpu.memory_space<semaphore_mem>>
      %dma_start3A_134 = tpu.memref_slice %arg2[%mul3A_2] : memref<16384xi32, #tpu.memory_space<hbm>> -> memref<512xi32, #tpu.memory_space<hbm>>
      %dma_start3A_135 = tpu.memref_slice %arg2[%mul3A_2] : memref<16384xi32, #tpu.memory_space<hbm>> -> memref<512xi32, #tpu.memory_space<hbm>>
      tpu.enqueue_dma source(%dma_start3A_135 : memref<512xi32, #tpu.memory_space<hbm>>) target(%arg7 : memref<512xi32, #tpu.memory_space<vmem>>) target_semaphore(%run_scoped3A : memref<!tpu.dma_semaphore, #tpu.memory_space<semaphore_mem>>)
      %dma_wait3A_136 = tpu.memref_slice %arg2[%mul3A_2] : memref<16384xi32, #tpu.memory_space<hbm>> -> memref<512xi32, #tpu.memory_space<hbm>>
      %dma_wait3A_137 = tpu.memref_slice %arg2[%mul3A_2] : memref<16384xi32, #tpu.memory_space<hbm>> -> memref<512xi32, #tpu.memory_space<hbm>>
      tpu.wait_dma2 semaphore(%run_scoped3A : memref<!tpu.dma_semaphore, #tpu.memory_space<semaphore_mem>>) src(%dma_wait3A_137 : memref<512xi32, #tpu.memory_space<hbm>>) dst(%arg7 : memref<512xi32, #tpu.memory_space<vmem>>)
      tpu.yield
    }) : () -> ()
    "tpu.region"() ({
      %run_scoped3A = tpu.sem_alloc : memref<!tpu.dma_semaphore, #tpu.memory_space<semaphore_mem>>
      %dma_start3A_134 = tpu.memref_slice %arg3[%mul3A_2] : memref<16384xi32, #tpu.memory_space<hbm>> -> memref<512xi32, #tpu.memory_space<hbm>>
      %dma_start3A_135 = tpu.memref_slice %arg3[%mul3A_2] : memref<16384xi32, #tpu.memory_space<hbm>> -> memref<512xi32, #tpu.memory_space<hbm>>
      tpu.enqueue_dma source(%dma_start3A_135 : memref<512xi32, #tpu.memory_space<hbm>>) target(%arg8 : memref<512xi32, #tpu.memory_space<vmem>>) target_semaphore(%run_scoped3A : memref<!tpu.dma_semaphore, #tpu.memory_space<semaphore_mem>>)
      %dma_wait3A_136 = tpu.memref_slice %arg3[%mul3A_2] : memref<16384xi32, #tpu.memory_space<hbm>> -> memref<512xi32, #tpu.memory_space<hbm>>
      %dma_wait3A_137 = tpu.memref_slice %arg3[%mul3A_2] : memref<16384xi32, #tpu.memory_space<hbm>> -> memref<512xi32, #tpu.memory_space<hbm>>
      tpu.wait_dma2 semaphore(%run_scoped3A : memref<!tpu.dma_semaphore, #tpu.memory_space<semaphore_mem>>) src(%dma_wait3A_137 : memref<512xi32, #tpu.memory_space<hbm>>) dst(%arg8 : memref<512xi32, #tpu.memory_space<vmem>>)
      tpu.yield
    }) : () -> ()
    %dma_start3A = arith.constant 0 : i32
    %dma_start3A_3 = arith.constant 0 : i32
    %dma_start3A_4 = tpu.memref_slice %arg9[%dma_start3A, %dma_start3A_3] : memref<512x16xf32, #tpu.memory_space<vmem>> -> memref<128x16xf32, #tpu.memory_space<vmem>>
    %dma_start3A_5 = arith.constant 0 : i32
    %dma_start3A_6 = tpu.memref_slice %arg7[%dma_start3A_5] : memref<512xi32, #tpu.memory_space<vmem>> -> memref<128xi32, #tpu.memory_space<vmem>>
    %dma_start3A_7 = arith.constant 0 : i32
    %dma_start3A_8 = arith.constant 0 : i32
    %dma_start3A_9 = tpu.memref_slice %arg4[%dma_start3A_7, %dma_start3A_8] : memref<1000000x16xf32, #tpu.memory_space<hbm>> -> memref<1000000x16xf32, #tpu.memory_space<hbm>>
    tpu.enqueue_indirect_dma source(%dma_start3A_9 : memref<1000000x16xf32, #tpu.memory_space<hbm>>) target(%dma_start3A_4 : memref<128x16xf32, #tpu.memory_space<vmem>>) offsets(%dma_start3A_6 : memref<128xi32, #tpu.memory_space<vmem>>) semaphore(%arg12 : memref<!tpu.dma_semaphore, #tpu.memory_space<semaphore_mem>>)
    %dma_start3A_10 = arith.constant 0 : i32
    %dma_start3A_11 = arith.constant 0 : i32
    %dma_start3A_12 = tpu.memref_slice %arg10[%dma_start3A_10, %dma_start3A_11] : memref<512x16xf32, #tpu.memory_space<vmem>> -> memref<128x16xf32, #tpu.memory_space<vmem>>
    %dma_start3A_13 = arith.constant 0 : i32
    %dma_start3A_14 = tpu.memref_slice %arg8[%dma_start3A_13] : memref<512xi32, #tpu.memory_space<vmem>> -> memref<128xi32, #tpu.memory_space<vmem>>
    %dma_start3A_15 = arith.constant 0 : i32
    %dma_start3A_16 = arith.constant 0 : i32
    %dma_start3A_17 = tpu.memref_slice %arg5[%dma_start3A_15, %dma_start3A_16] : memref<1000000x16xf32, #tpu.memory_space<hbm>> -> memref<1000000x16xf32, #tpu.memory_space<hbm>>
    tpu.enqueue_indirect_dma source(%dma_start3A_17 : memref<1000000x16xf32, #tpu.memory_space<hbm>>) target(%dma_start3A_12 : memref<128x16xf32, #tpu.memory_space<vmem>>) offsets(%dma_start3A_14 : memref<128xi32, #tpu.memory_space<vmem>>) semaphore(%arg12 : memref<!tpu.dma_semaphore, #tpu.memory_space<semaphore_mem>>)
    %dma_start3A_18 = arith.constant 128 : i32
    %dma_start3A_19 = arith.constant 0 : i32
    %dma_start3A_20 = tpu.memref_slice %arg9[%dma_start3A_18, %dma_start3A_19] : memref<512x16xf32, #tpu.memory_space<vmem>> -> memref<128x16xf32, #tpu.memory_space<vmem>>
    %dma_start3A_21 = arith.constant 128 : i32
    %dma_start3A_22 = tpu.memref_slice %arg7[%dma_start3A_21] : memref<512xi32, #tpu.memory_space<vmem>> -> memref<128xi32, #tpu.memory_space<vmem>>
    %dma_start3A_23 = arith.constant 0 : i32
    %dma_start3A_24 = arith.constant 0 : i32
    %dma_start3A_25 = tpu.memref_slice %arg4[%dma_start3A_23, %dma_start3A_24] : memref<1000000x16xf32, #tpu.memory_space<hbm>> -> memref<1000000x16xf32, #tpu.memory_space<hbm>>
    tpu.enqueue_indirect_dma source(%dma_start3A_25 : memref<1000000x16xf32, #tpu.memory_space<hbm>>) target(%dma_start3A_20 : memref<128x16xf32, #tpu.memory_space<vmem>>) offsets(%dma_start3A_22 : memref<128xi32, #tpu.memory_space<vmem>>) semaphore(%arg12 : memref<!tpu.dma_semaphore, #tpu.memory_space<semaphore_mem>>)
    %dma_start3A_26 = arith.constant 128 : i32
    %dma_start3A_27 = arith.constant 0 : i32
    %dma_start3A_28 = tpu.memref_slice %arg10[%dma_start3A_26, %dma_start3A_27] : memref<512x16xf32, #tpu.memory_space<vmem>> -> memref<128x16xf32, #tpu.memory_space<vmem>>
    %dma_start3A_29 = arith.constant 128 : i32
    %dma_start3A_30 = tpu.memref_slice %arg8[%dma_start3A_29] : memref<512xi32, #tpu.memory_space<vmem>> -> memref<128xi32, #tpu.memory_space<vmem>>
    %dma_start3A_31 = arith.constant 0 : i32
    %dma_start3A_32 = arith.constant 0 : i32
    %dma_start3A_33 = tpu.memref_slice %arg5[%dma_start3A_31, %dma_start3A_32] : memref<1000000x16xf32, #tpu.memory_space<hbm>> -> memref<1000000x16xf32, #tpu.memory_space<hbm>>
    tpu.enqueue_indirect_dma source(%dma_start3A_33 : memref<1000000x16xf32, #tpu.memory_space<hbm>>) target(%dma_start3A_28 : memref<128x16xf32, #tpu.memory_space<vmem>>) offsets(%dma_start3A_30 : memref<128xi32, #tpu.memory_space<vmem>>) semaphore(%arg12 : memref<!tpu.dma_semaphore, #tpu.memory_space<semaphore_mem>>)
    %dma_start3A_34 = arith.constant 256 : i32
    %dma_start3A_35 = arith.constant 0 : i32
    %dma_start3A_36 = tpu.memref_slice %arg9[%dma_start3A_34, %dma_start3A_35] : memref<512x16xf32, #tpu.memory_space<vmem>> -> memref<128x16xf32, #tpu.memory_space<vmem>>
    %dma_start3A_37 = arith.constant 256 : i32
    %dma_start3A_38 = tpu.memref_slice %arg7[%dma_start3A_37] : memref<512xi32, #tpu.memory_space<vmem>> -> memref<128xi32, #tpu.memory_space<vmem>>
    %dma_start3A_39 = arith.constant 0 : i32
    %dma_start3A_40 = arith.constant 0 : i32
    %dma_start3A_41 = tpu.memref_slice %arg4[%dma_start3A_39, %dma_start3A_40] : memref<1000000x16xf32, #tpu.memory_space<hbm>> -> memref<1000000x16xf32, #tpu.memory_space<hbm>>
    tpu.enqueue_indirect_dma source(%dma_start3A_41 : memref<1000000x16xf32, #tpu.memory_space<hbm>>) target(%dma_start3A_36 : memref<128x16xf32, #tpu.memory_space<vmem>>) offsets(%dma_start3A_38 : memref<128xi32, #tpu.memory_space<vmem>>) semaphore(%arg12 : memref<!tpu.dma_semaphore, #tpu.memory_space<semaphore_mem>>)
    %dma_start3A_42 = arith.constant 256 : i32
    %dma_start3A_43 = arith.constant 0 : i32
    %dma_start3A_44 = tpu.memref_slice %arg10[%dma_start3A_42, %dma_start3A_43] : memref<512x16xf32, #tpu.memory_space<vmem>> -> memref<128x16xf32, #tpu.memory_space<vmem>>
    %dma_start3A_45 = arith.constant 256 : i32
    %dma_start3A_46 = tpu.memref_slice %arg8[%dma_start3A_45] : memref<512xi32, #tpu.memory_space<vmem>> -> memref<128xi32, #tpu.memory_space<vmem>>
    %dma_start3A_47 = arith.constant 0 : i32
    %dma_start3A_48 = arith.constant 0 : i32
    %dma_start3A_49 = tpu.memref_slice %arg5[%dma_start3A_47, %dma_start3A_48] : memref<1000000x16xf32, #tpu.memory_space<hbm>> -> memref<1000000x16xf32, #tpu.memory_space<hbm>>
    tpu.enqueue_indirect_dma source(%dma_start3A_49 : memref<1000000x16xf32, #tpu.memory_space<hbm>>) target(%dma_start3A_44 : memref<128x16xf32, #tpu.memory_space<vmem>>) offsets(%dma_start3A_46 : memref<128xi32, #tpu.memory_space<vmem>>) semaphore(%arg12 : memref<!tpu.dma_semaphore, #tpu.memory_space<semaphore_mem>>)
    %dma_start3A_50 = arith.constant 384 : i32
    %dma_start3A_51 = arith.constant 0 : i32
    %dma_start3A_52 = tpu.memref_slice %arg9[%dma_start3A_50, %dma_start3A_51] : memref<512x16xf32, #tpu.memory_space<vmem>> -> memref<128x16xf32, #tpu.memory_space<vmem>>
    %dma_start3A_53 = arith.constant 384 : i32
    %dma_start3A_54 = tpu.memref_slice %arg7[%dma_start3A_53] : memref<512xi32, #tpu.memory_space<vmem>> -> memref<128xi32, #tpu.memory_space<vmem>>
    %dma_start3A_55 = arith.constant 0 : i32
    %dma_start3A_56 = arith.constant 0 : i32
    %dma_start3A_57 = tpu.memref_slice %arg4[%dma_start3A_55, %dma_start3A_56] : memref<1000000x16xf32, #tpu.memory_space<hbm>> -> memref<1000000x16xf32, #tpu.memory_space<hbm>>
    tpu.enqueue_indirect_dma source(%dma_start3A_57 : memref<1000000x16xf32, #tpu.memory_space<hbm>>) target(%dma_start3A_52 : memref<128x16xf32, #tpu.memory_space<vmem>>) offsets(%dma_start3A_54 : memref<128xi32, #tpu.memory_space<vmem>>) semaphore(%arg12 : memref<!tpu.dma_semaphore, #tpu.memory_space<semaphore_mem>>)
    %dma_start3A_58 = arith.constant 384 : i32
    %dma_start3A_59 = arith.constant 0 : i32
    %dma_start3A_60 = tpu.memref_slice %arg10[%dma_start3A_58, %dma_start3A_59] : memref<512x16xf32, #tpu.memory_space<vmem>> -> memref<128x16xf32, #tpu.memory_space<vmem>>
    %dma_start3A_61 = arith.constant 384 : i32
    %dma_start3A_62 = tpu.memref_slice %arg8[%dma_start3A_61] : memref<512xi32, #tpu.memory_space<vmem>> -> memref<128xi32, #tpu.memory_space<vmem>>
    %dma_start3A_63 = arith.constant 0 : i32
    %dma_start3A_64 = arith.constant 0 : i32
    %dma_start3A_65 = tpu.memref_slice %arg5[%dma_start3A_63, %dma_start3A_64] : memref<1000000x16xf32, #tpu.memory_space<hbm>> -> memref<1000000x16xf32, #tpu.memory_space<hbm>>
    tpu.enqueue_indirect_dma source(%dma_start3A_65 : memref<1000000x16xf32, #tpu.memory_space<hbm>>) target(%dma_start3A_60 : memref<128x16xf32, #tpu.memory_space<vmem>>) offsets(%dma_start3A_62 : memref<128xi32, #tpu.memory_space<vmem>>) semaphore(%arg12 : memref<!tpu.dma_semaphore, #tpu.memory_space<semaphore_mem>>)
    %dma_wait3A = arith.constant 0 : i32
    %dma_wait3A_66 = arith.constant 0 : i32
    %dma_wait3A_67 = tpu.memref_slice %arg9[%dma_wait3A, %dma_wait3A_66] : memref<512x16xf32, #tpu.memory_space<vmem>> -> memref<128x16xf32, #tpu.memory_space<vmem>>
    %dma_wait3A_68 = arith.constant 0 : i32
    %dma_wait3A_69 = tpu.memref_slice %arg7[%dma_wait3A_68] : memref<512xi32, #tpu.memory_space<vmem>> -> memref<128xi32, #tpu.memory_space<vmem>>
    %dma_wait3A_70 = arith.constant 0 : i32
    %dma_wait3A_71 = arith.constant 0 : i32
    %dma_wait3A_72 = tpu.memref_slice %arg4[%dma_wait3A_70, %dma_wait3A_71] : memref<1000000x16xf32, #tpu.memory_space<hbm>> -> memref<1000000x16xf32, #tpu.memory_space<hbm>>
    tpu.wait_indirect_dma semaphore(%arg12 : memref<!tpu.dma_semaphore, #tpu.memory_space<semaphore_mem>>) src(%dma_wait3A_72 : memref<1000000x16xf32, #tpu.memory_space<hbm>>) dst(%dma_wait3A_67 : memref<128x16xf32, #tpu.memory_space<vmem>>)
    %dma_wait3A_73 = arith.constant 0 : i32
    %dma_wait3A_74 = arith.constant 0 : i32
    %dma_wait3A_75 = tpu.memref_slice %arg10[%dma_wait3A_73, %dma_wait3A_74] : memref<512x16xf32, #tpu.memory_space<vmem>> -> memref<128x16xf32, #tpu.memory_space<vmem>>
    %dma_wait3A_76 = arith.constant 0 : i32
    %dma_wait3A_77 = tpu.memref_slice %arg8[%dma_wait3A_76] : memref<512xi32, #tpu.memory_space<vmem>> -> memref<128xi32, #tpu.memory_space<vmem>>
    %dma_wait3A_78 = arith.constant 0 : i32
    %dma_wait3A_79 = arith.constant 0 : i32
    %dma_wait3A_80 = tpu.memref_slice %arg5[%dma_wait3A_78, %dma_wait3A_79] : memref<1000000x16xf32, #tpu.memory_space<hbm>> -> memref<1000000x16xf32, #tpu.memory_space<hbm>>
    tpu.wait_indirect_dma semaphore(%arg12 : memref<!tpu.dma_semaphore, #tpu.memory_space<semaphore_mem>>) src(%dma_wait3A_80 : memref<1000000x16xf32, #tpu.memory_space<hbm>>) dst(%dma_wait3A_75 : memref<128x16xf32, #tpu.memory_space<vmem>>)
    %dma_wait3A_81 = arith.constant 128 : i32
    %dma_wait3A_82 = arith.constant 0 : i32
    %dma_wait3A_83 = tpu.memref_slice %arg9[%dma_wait3A_81, %dma_wait3A_82] : memref<512x16xf32, #tpu.memory_space<vmem>> -> memref<128x16xf32, #tpu.memory_space<vmem>>
    %dma_wait3A_84 = arith.constant 128 : i32
    %dma_wait3A_85 = tpu.memref_slice %arg7[%dma_wait3A_84] : memref<512xi32, #tpu.memory_space<vmem>> -> memref<128xi32, #tpu.memory_space<vmem>>
    %dma_wait3A_86 = arith.constant 0 : i32
    %dma_wait3A_87 = arith.constant 0 : i32
    %dma_wait3A_88 = tpu.memref_slice %arg4[%dma_wait3A_86, %dma_wait3A_87] : memref<1000000x16xf32, #tpu.memory_space<hbm>> -> memref<1000000x16xf32, #tpu.memory_space<hbm>>
    tpu.wait_indirect_dma semaphore(%arg12 : memref<!tpu.dma_semaphore, #tpu.memory_space<semaphore_mem>>) src(%dma_wait3A_88 : memref<1000000x16xf32, #tpu.memory_space<hbm>>) dst(%dma_wait3A_83 : memref<128x16xf32, #tpu.memory_space<vmem>>)
    %dma_wait3A_89 = arith.constant 128 : i32
    %dma_wait3A_90 = arith.constant 0 : i32
    %dma_wait3A_91 = tpu.memref_slice %arg10[%dma_wait3A_89, %dma_wait3A_90] : memref<512x16xf32, #tpu.memory_space<vmem>> -> memref<128x16xf32, #tpu.memory_space<vmem>>
    %dma_wait3A_92 = arith.constant 128 : i32
    %dma_wait3A_93 = tpu.memref_slice %arg8[%dma_wait3A_92] : memref<512xi32, #tpu.memory_space<vmem>> -> memref<128xi32, #tpu.memory_space<vmem>>
    %dma_wait3A_94 = arith.constant 0 : i32
    %dma_wait3A_95 = arith.constant 0 : i32
    %dma_wait3A_96 = tpu.memref_slice %arg5[%dma_wait3A_94, %dma_wait3A_95] : memref<1000000x16xf32, #tpu.memory_space<hbm>> -> memref<1000000x16xf32, #tpu.memory_space<hbm>>
    tpu.wait_indirect_dma semaphore(%arg12 : memref<!tpu.dma_semaphore, #tpu.memory_space<semaphore_mem>>) src(%dma_wait3A_96 : memref<1000000x16xf32, #tpu.memory_space<hbm>>) dst(%dma_wait3A_91 : memref<128x16xf32, #tpu.memory_space<vmem>>)
    %dma_wait3A_97 = arith.constant 256 : i32
    %dma_wait3A_98 = arith.constant 0 : i32
    %dma_wait3A_99 = tpu.memref_slice %arg9[%dma_wait3A_97, %dma_wait3A_98] : memref<512x16xf32, #tpu.memory_space<vmem>> -> memref<128x16xf32, #tpu.memory_space<vmem>>
    %dma_wait3A_100 = arith.constant 256 : i32
    %dma_wait3A_101 = tpu.memref_slice %arg7[%dma_wait3A_100] : memref<512xi32, #tpu.memory_space<vmem>> -> memref<128xi32, #tpu.memory_space<vmem>>
    %dma_wait3A_102 = arith.constant 0 : i32
    %dma_wait3A_103 = arith.constant 0 : i32
    %dma_wait3A_104 = tpu.memref_slice %arg4[%dma_wait3A_102, %dma_wait3A_103] : memref<1000000x16xf32, #tpu.memory_space<hbm>> -> memref<1000000x16xf32, #tpu.memory_space<hbm>>
    tpu.wait_indirect_dma semaphore(%arg12 : memref<!tpu.dma_semaphore, #tpu.memory_space<semaphore_mem>>) src(%dma_wait3A_104 : memref<1000000x16xf32, #tpu.memory_space<hbm>>) dst(%dma_wait3A_99 : memref<128x16xf32, #tpu.memory_space<vmem>>)
    %dma_wait3A_105 = arith.constant 256 : i32
    %dma_wait3A_106 = arith.constant 0 : i32
    %dma_wait3A_107 = tpu.memref_slice %arg10[%dma_wait3A_105, %dma_wait3A_106] : memref<512x16xf32, #tpu.memory_space<vmem>> -> memref<128x16xf32, #tpu.memory_space<vmem>>
    %dma_wait3A_108 = arith.constant 256 : i32
    %dma_wait3A_109 = tpu.memref_slice %arg8[%dma_wait3A_108] : memref<512xi32, #tpu.memory_space<vmem>> -> memref<128xi32, #tpu.memory_space<vmem>>
    %dma_wait3A_110 = arith.constant 0 : i32
    %dma_wait3A_111 = arith.constant 0 : i32
    %dma_wait3A_112 = tpu.memref_slice %arg5[%dma_wait3A_110, %dma_wait3A_111] : memref<1000000x16xf32, #tpu.memory_space<hbm>> -> memref<1000000x16xf32, #tpu.memory_space<hbm>>
    tpu.wait_indirect_dma semaphore(%arg12 : memref<!tpu.dma_semaphore, #tpu.memory_space<semaphore_mem>>) src(%dma_wait3A_112 : memref<1000000x16xf32, #tpu.memory_space<hbm>>) dst(%dma_wait3A_107 : memref<128x16xf32, #tpu.memory_space<vmem>>)
    %dma_wait3A_113 = arith.constant 384 : i32
    %dma_wait3A_114 = arith.constant 0 : i32
    %dma_wait3A_115 = tpu.memref_slice %arg9[%dma_wait3A_113, %dma_wait3A_114] : memref<512x16xf32, #tpu.memory_space<vmem>> -> memref<128x16xf32, #tpu.memory_space<vmem>>
    %dma_wait3A_116 = arith.constant 384 : i32
    %dma_wait3A_117 = tpu.memref_slice %arg7[%dma_wait3A_116] : memref<512xi32, #tpu.memory_space<vmem>> -> memref<128xi32, #tpu.memory_space<vmem>>
    %dma_wait3A_118 = arith.constant 0 : i32
    %dma_wait3A_119 = arith.constant 0 : i32
    %dma_wait3A_120 = tpu.memref_slice %arg4[%dma_wait3A_118, %dma_wait3A_119] : memref<1000000x16xf32, #tpu.memory_space<hbm>> -> memref<1000000x16xf32, #tpu.memory_space<hbm>>
    tpu.wait_indirect_dma semaphore(%arg12 : memref<!tpu.dma_semaphore, #tpu.memory_space<semaphore_mem>>) src(%dma_wait3A_120 : memref<1000000x16xf32, #tpu.memory_space<hbm>>) dst(%dma_wait3A_115 : memref<128x16xf32, #tpu.memory_space<vmem>>)
    %dma_wait3A_121 = arith.constant 384 : i32
    %dma_wait3A_122 = arith.constant 0 : i32
    %dma_wait3A_123 = tpu.memref_slice %arg10[%dma_wait3A_121, %dma_wait3A_122] : memref<512x16xf32, #tpu.memory_space<vmem>> -> memref<128x16xf32, #tpu.memory_space<vmem>>
    %dma_wait3A_124 = arith.constant 384 : i32
    %dma_wait3A_125 = tpu.memref_slice %arg8[%dma_wait3A_124] : memref<512xi32, #tpu.memory_space<vmem>> -> memref<128xi32, #tpu.memory_space<vmem>>
    %dma_wait3A_126 = arith.constant 0 : i32
    %dma_wait3A_127 = arith.constant 0 : i32
    %dma_wait3A_128 = tpu.memref_slice %arg5[%dma_wait3A_126, %dma_wait3A_127] : memref<1000000x16xf32, #tpu.memory_space<hbm>> -> memref<1000000x16xf32, #tpu.memory_space<hbm>>
    tpu.wait_indirect_dma semaphore(%arg12 : memref<!tpu.dma_semaphore, #tpu.memory_space<semaphore_mem>>) src(%dma_wait3A_128 : memref<1000000x16xf32, #tpu.memory_space<hbm>>) dst(%dma_wait3A_123 : memref<128x16xf32, #tpu.memory_space<vmem>>)
    %iota3A = tpu.iota {dimensions = array<i32: 0>} : vector<16xi32>
    %scan3A = arith.constant 0 : i32
    %scan3A_129 = arith.constant 0 : i32
    %scan3A_130 = arith.constant 32 : i32
    %scan3A_131 = arith.addi %scan3A_129, %scan3A_130 : i32
    %scan3A_132 = arith.constant 1 : i32
    scf.for %scan3A_134 = %scan3A_129 to %scan3A_131 step %scan3A_132  : i32 {
      %mul3A_135 = arith.constant 16 : i32
      %mul3A_136 = arith.muli %scan3A_134, %mul3A_135 : i32
      %add3A_137 = vector.broadcast %mul3A_136 : i32 to vector<16xi32>
      %add3A_138 = arith.addi %iota3A, %add3A_137 : vector<16xi32>
      %broadcast_in_dim3A = arith.constant 0.000000e+00 : f32
      %broadcast_in_dim3A_139 = vector.broadcast %broadcast_in_dim3A : f32 to vector<16xf32>
      %broadcast_in_dim3A_140 = arith.constant 0 : i32
      %broadcast_in_dim3A_141 = vector.broadcast %broadcast_in_dim3A_140 : i32 to vector<16xi32>
      %gather3A = tpu.vector_load_idx %arg9[%add3A_138, %broadcast_in_dim3A_141] : memref<512x16xf32, #tpu.memory_space<vmem>>[vector<16xi32>, vector<16xi32>], vector<16xf32>,
      %gather3A_142 = tpu.vector_load_idx %arg10[%add3A_138, %broadcast_in_dim3A_141] : memref<512x16xf32, #tpu.memory_space<vmem>>[vector<16xi32>, vector<16xi32>], vector<16xf32>,
      %mul3A_143 = arith.mulf %gather3A, %gather3A_142 : vector<16xf32>
      %add3A_144 = arith.addf %broadcast_in_dim3A_139, %mul3A_143 : vector<16xf32>
      %broadcast_in_dim3A_145 = arith.constant 1 : i32
      %broadcast_in_dim3A_146 = vector.broadcast %broadcast_in_dim3A_145 : i32 to vector<16xi32>
      %gather3A_147 = tpu.vector_load_idx %arg9[%add3A_138, %broadcast_in_dim3A_146] : memref<512x16xf32, #tpu.memory_space<vmem>>[vector<16xi32>, vector<16xi32>], vector<16xf32>,
      %gather3A_148 = tpu.vector_load_idx %arg10[%add3A_138, %broadcast_in_dim3A_146] : memref<512x16xf32, #tpu.memory_space<vmem>>[vector<16xi32>, vector<16xi32>], vector<16xf32>,
      %mul3A_149 = arith.mulf %gather3A_147, %gather3A_148 : vector<16xf32>
      %add3A_150 = arith.addf %add3A_144, %mul3A_149 : vector<16xf32>
      %broadcast_in_dim3A_151 = arith.constant 2 : i32
      %broadcast_in_dim3A_152 = vector.broadcast %broadcast_in_dim3A_151 : i32 to vector<16xi32>
      %gather3A_153 = tpu.vector_load_idx %arg9[%add3A_138, %broadcast_in_dim3A_152] : memref<512x16xf32, #tpu.memory_space<vmem>>[vector<16xi32>, vector<16xi32>], vector<16xf32>,
      %gather3A_154 = tpu.vector_load_idx %arg10[%add3A_138, %broadcast_in_dim3A_152] : memref<512x16xf32, #tpu.memory_space<vmem>>[vector<16xi32>, vector<16xi32>], vector<16xf32>,
      %mul3A_155 = arith.mulf %gather3A_153, %gather3A_154 : vector<16xf32>
      %add3A_156 = arith.addf %add3A_150, %mul3A_155 : vector<16xf32>
      %broadcast_in_dim3A_157 = arith.constant 3 : i32
      %broadcast_in_dim3A_158 = vector.broadcast %broadcast_in_dim3A_157 : i32 to vector<16xi32>
      %gather3A_159 = tpu.vector_load_idx %arg9[%add3A_138, %broadcast_in_dim3A_158] : memref<512x16xf32, #tpu.memory_space<vmem>>[vector<16xi32>, vector<16xi32>], vector<16xf32>,
      %gather3A_160 = tpu.vector_load_idx %arg10[%add3A_138, %broadcast_in_dim3A_158] : memref<512x16xf32, #tpu.memory_space<vmem>>[vector<16xi32>, vector<16xi32>], vector<16xf32>,
      %mul3A_161 = arith.mulf %gather3A_159, %gather3A_160 : vector<16xf32>
      %add3A_162 = arith.addf %add3A_156, %mul3A_161 : vector<16xf32>
      %broadcast_in_dim3A_163 = arith.constant 4 : i32
      %broadcast_in_dim3A_164 = vector.broadcast %broadcast_in_dim3A_163 : i32 to vector<16xi32>
      %gather3A_165 = tpu.vector_load_idx %arg9[%add3A_138, %broadcast_in_dim3A_164] : memref<512x16xf32, #tpu.memory_space<vmem>>[vector<16xi32>, vector<16xi32>], vector<16xf32>,
      %gather3A_166 = tpu.vector_load_idx %arg10[%add3A_138, %broadcast_in_dim3A_164] : memref<512x16xf32, #tpu.memory_space<vmem>>[vector<16xi32>, vector<16xi32>], vector<16xf32>,
      %mul3A_167 = arith.mulf %gather3A_165, %gather3A_166 : vector<16xf32>
      %add3A_168 = arith.addf %add3A_162, %mul3A_167 : vector<16xf32>
      %broadcast_in_dim3A_169 = arith.constant 5 : i32
      %broadcast_in_dim3A_170 = vector.broadcast %broadcast_in_dim3A_169 : i32 to vector<16xi32>
      %gather3A_171 = tpu.vector_load_idx %arg9[%add3A_138, %broadcast_in_dim3A_170] : memref<512x16xf32, #tpu.memory_space<vmem>>[vector<16xi32>, vector<16xi32>], vector<16xf32>,
      %gather3A_172 = tpu.vector_load_idx %arg10[%add3A_138, %broadcast_in_dim3A_170] : memref<512x16xf32, #tpu.memory_space<vmem>>[vector<16xi32>, vector<16xi32>], vector<16xf32>,
      %mul3A_173 = arith.mulf %gather3A_171, %gather3A_172 : vector<16xf32>
      %add3A_174 = arith.addf %add3A_168, %mul3A_173 : vector<16xf32>
      %broadcast_in_dim3A_175 = arith.constant 6 : i32
      %broadcast_in_dim3A_176 = vector.broadcast %broadcast_in_dim3A_175 : i32 to vector<16xi32>
      %gather3A_177 = tpu.vector_load_idx %arg9[%add3A_138, %broadcast_in_dim3A_176] : memref<512x16xf32, #tpu.memory_space<vmem>>[vector<16xi32>, vector<16xi32>], vector<16xf32>,
      %gather3A_178 = tpu.vector_load_idx %arg10[%add3A_138, %broadcast_in_dim3A_176] : memref<512x16xf32, #tpu.memory_space<vmem>>[vector<16xi32>, vector<16xi32>], vector<16xf32>,
      %mul3A_179 = arith.mulf %gather3A_177, %gather3A_178 : vector<16xf32>
      %add3A_180 = arith.addf %add3A_174, %mul3A_179 : vector<16xf32>
      %broadcast_in_dim3A_181 = arith.constant 7 : i32
      %broadcast_in_dim3A_182 = vector.broadcast %broadcast_in_dim3A_181 : i32 to vector<16xi32>
      %gather3A_183 = tpu.vector_load_idx %arg9[%add3A_138, %broadcast_in_dim3A_182] : memref<512x16xf32, #tpu.memory_space<vmem>>[vector<16xi32>, vector<16xi32>], vector<16xf32>,
      %gather3A_184 = tpu.vector_load_idx %arg10[%add3A_138, %broadcast_in_dim3A_182] : memref<512x16xf32, #tpu.memory_space<vmem>>[vector<16xi32>, vector<16xi32>], vector<16xf32>,
      %mul3A_185 = arith.mulf %gather3A_183, %gather3A_184 : vector<16xf32>
      %add3A_186 = arith.addf %add3A_180, %mul3A_185 : vector<16xf32>
      %broadcast_in_dim3A_187 = arith.constant 8 : i32
      %broadcast_in_dim3A_188 = vector.broadcast %broadcast_in_dim3A_187 : i32 to vector<16xi32>
      %gather3A_189 = tpu.vector_load_idx %arg9[%add3A_138, %broadcast_in_dim3A_188] : memref<512x16xf32, #tpu.memory_space<vmem>>[vector<16xi32>, vector<16xi32>], vector<16xf32>,
      %gather3A_190 = tpu.vector_load_idx %arg10[%add3A_138, %broadcast_in_dim3A_188] : memref<512x16xf32, #tpu.memory_space<vmem>>[vector<16xi32>, vector<16xi32>], vector<16xf32>,
      %mul3A_191 = arith.mulf %gather3A_189, %gather3A_190 : vector<16xf32>
      %add3A_192 = arith.addf %add3A_186, %mul3A_191 : vector<16xf32>
      %broadcast_in_dim3A_193 = arith.constant 9 : i32
      %broadcast_in_dim3A_194 = vector.broadcast %broadcast_in_dim3A_193 : i32 to vector<16xi32>
      %gather3A_195 = tpu.vector_load_idx %arg9[%add3A_138, %broadcast_in_dim3A_194] : memref<512x16xf32, #tpu.memory_space<vmem>>[vector<16xi32>, vector<16xi32>], vector<16xf32>,
      %gather3A_196 = tpu.vector_load_idx %arg10[%add3A_138, %broadcast_in_dim3A_194] : memref<512x16xf32, #tpu.memory_space<vmem>>[vector<16xi32>, vector<16xi32>], vector<16xf32>,
      %mul3A_197 = arith.mulf %gather3A_195, %gather3A_196 : vector<16xf32>
      %add3A_198 = arith.addf %add3A_192, %mul3A_197 : vector<16xf32>
      %broadcast_in_dim3A_199 = arith.constant 10 : i32
      %broadcast_in_dim3A_200 = vector.broadcast %broadcast_in_dim3A_199 : i32 to vector<16xi32>
      %gather3A_201 = tpu.vector_load_idx %arg9[%add3A_138, %broadcast_in_dim3A_200] : memref<512x16xf32, #tpu.memory_space<vmem>>[vector<16xi32>, vector<16xi32>], vector<16xf32>,
      %gather3A_202 = tpu.vector_load_idx %arg10[%add3A_138, %broadcast_in_dim3A_200] : memref<512x16xf32, #tpu.memory_space<vmem>>[vector<16xi32>, vector<16xi32>], vector<16xf32>,
      %mul3A_203 = arith.mulf %gather3A_201, %gather3A_202 : vector<16xf32>
      %add3A_204 = arith.addf %add3A_198, %mul3A_203 : vector<16xf32>
      %broadcast_in_dim3A_205 = arith.constant 11 : i32
      %broadcast_in_dim3A_206 = vector.broadcast %broadcast_in_dim3A_205 : i32 to vector<16xi32>
      %gather3A_207 = tpu.vector_load_idx %arg9[%add3A_138, %broadcast_in_dim3A_206] : memref<512x16xf32, #tpu.memory_space<vmem>>[vector<16xi32>, vector<16xi32>], vector<16xf32>,
      %gather3A_208 = tpu.vector_load_idx %arg10[%add3A_138, %broadcast_in_dim3A_206] : memref<512x16xf32, #tpu.memory_space<vmem>>[vector<16xi32>, vector<16xi32>], vector<16xf32>,
      %mul3A_209 = arith.mulf %gather3A_207, %gather3A_208 : vector<16xf32>
      %add3A_210 = arith.addf %add3A_204, %mul3A_209 : vector<16xf32>
      %broadcast_in_dim3A_211 = arith.constant 12 : i32
      %broadcast_in_dim3A_212 = vector.broadcast %broadcast_in_dim3A_211 : i32 to vector<16xi32>
      %gather3A_213 = tpu.vector_load_idx %arg9[%add3A_138, %broadcast_in_dim3A_212] : memref<512x16xf32, #tpu.memory_space<vmem>>[vector<16xi32>, vector<16xi32>], vector<16xf32>,
      %gather3A_214 = tpu.vector_load_idx %arg10[%add3A_138, %broadcast_in_dim3A_212] : memref<512x16xf32, #tpu.memory_space<vmem>>[vector<16xi32>, vector<16xi32>], vector<16xf32>,
      %mul3A_215 = arith.mulf %gather3A_213, %gather3A_214 : vector<16xf32>
      %add3A_216 = arith.addf %add3A_210, %mul3A_215 : vector<16xf32>
      %broadcast_in_dim3A_217 = arith.constant 13 : i32
      %broadcast_in_dim3A_218 = vector.broadcast %broadcast_in_dim3A_217 : i32 to vector<16xi32>
      %gather3A_219 = tpu.vector_load_idx %arg9[%add3A_138, %broadcast_in_dim3A_218] : memref<512x16xf32, #tpu.memory_space<vmem>>[vector<16xi32>, vector<16xi32>], vector<16xf32>,
      %gather3A_220 = tpu.vector_load_idx %arg10[%add3A_138, %broadcast_in_dim3A_218] : memref<512x16xf32, #tpu.memory_space<vmem>>[vector<16xi32>, vector<16xi32>], vector<16xf32>,
      %mul3A_221 = arith.mulf %gather3A_219, %gather3A_220 : vector<16xf32>
      %add3A_222 = arith.addf %add3A_216, %mul3A_221 : vector<16xf32>
      %broadcast_in_dim3A_223 = arith.constant 14 : i32
      %broadcast_in_dim3A_224 = vector.broadcast %broadcast_in_dim3A_223 : i32 to vector<16xi32>
      %gather3A_225 = tpu.vector_load_idx %arg9[%add3A_138, %broadcast_in_dim3A_224] : memref<512x16xf32, #tpu.memory_space<vmem>>[vector<16xi32>, vector<16xi32>], vector<16xf32>,
      %gather3A_226 = tpu.vector_load_idx %arg10[%add3A_138, %broadcast_in_dim3A_224] : memref<512x16xf32, #tpu.memory_space<vmem>>[vector<16xi32>, vector<16xi32>], vector<16xf32>,
      %mul3A_227 = arith.mulf %gather3A_225, %gather3A_226 : vector<16xf32>
      %add3A_228 = arith.addf %add3A_222, %mul3A_227 : vector<16xf32>
      %broadcast_in_dim3A_229 = arith.constant 15 : i32
      %broadcast_in_dim3A_230 = vector.broadcast %broadcast_in_dim3A_229 : i32 to vector<16xi32>
      %gather3A_231 = tpu.vector_load_idx %arg9[%add3A_138, %broadcast_in_dim3A_230] : memref<512x16xf32, #tpu.memory_space<vmem>>[vector<16xi32>, vector<16xi32>], vector<16xf32>,
      %gather3A_232 = tpu.vector_load_idx %arg10[%add3A_138, %broadcast_in_dim3A_230] : memref<512x16xf32, #tpu.memory_space<vmem>>[vector<16xi32>, vector<16xi32>], vector<16xf32>,
      %mul3A_233 = arith.mulf %gather3A_231, %gather3A_232 : vector<16xf32>
      %add3A_234 = arith.addf %add3A_228, %mul3A_233 : vector<16xf32>
      %mul3A_235 = arith.constant 16 : i32
      %mul3A_236 = arith.muli %scan3A_134, %mul3A_235 : i32
      %swap3A = arith.index_cast %mul3A_236 : i32 to index
      %swap3A_237 = tpu.vector_load %arg11[%swap3A] {strides = array<i32>} : memref<512xf32, #tpu.memory_space<vmem>>, vector<16xf32>,
      tpu.vector_store %arg11[%swap3A], %add3A_234 {strides = array<i32>} : memref<512xf32, #tpu.memory_space<vmem>>, vector<16xf32>,
    }
    %scan3A_133 = arith.constant 32 : i32
    "tpu.region"() ({
      %run_scoped3A = tpu.sem_alloc : memref<!tpu.dma_semaphore, #tpu.memory_space<semaphore_mem>>
      %dma_start3A_134 = tpu.memref_slice %arg6[%mul3A_2] : memref<16384xf32, #tpu.memory_space<hbm>> -> memref<512xf32, #tpu.memory_space<hbm>>
      %dma_start3A_135 = tpu.memref_slice %arg6[%mul3A_2] : memref<16384xf32, #tpu.memory_space<hbm>> -> memref<512xf32, #tpu.memory_space<hbm>>
      tpu.enqueue_dma source(%arg11 : memref<512xf32, #tpu.memory_space<vmem>>) target(%dma_start3A_135 : memref<512xf32, #tpu.memory_space<hbm>>) target_semaphore(%run_scoped3A : memref<!tpu.dma_semaphore, #tpu.memory_space<semaphore_mem>>)
      %dma_wait3A_136 = tpu.memref_slice %arg6[%mul3A_2] : memref<16384xf32, #tpu.memory_space<hbm>> -> memref<512xf32, #tpu.memory_space<hbm>>
      %dma_wait3A_137 = tpu.memref_slice %arg6[%mul3A_2] : memref<16384xf32, #tpu.memory_space<hbm>> -> memref<512xf32, #tpu.memory_space<hbm>>
      tpu.wait_dma2 semaphore(%run_scoped3A : memref<!tpu.dma_semaphore, #tpu.memory_space<semaphore_mem>>) src(%arg11 : memref<512xf32, #tpu.memory_space<vmem>>) dst(%dma_wait3A_137 : memref<512xf32, #tpu.memory_space<hbm>>)
      tpu.yield
    }) : () -> ()
    return
  }
}

</mosaic_0001>

<sc_bundles>
// kernel: kernel.3.cloned.1.call-start
scs
__scs_entry_jumppad:
0x0: {  	(pc) =	sbr.rel $0x88, $3  }
0x1: {  	(tag) =	ssettag $0x0;
	lr =	simm.s32 $0x1  }
0x2: {  	[smem:$0x3F9D] =	sst lr;
	_ =	strace $0xD0000000  }
0x3: {  	_ = 	snop  }
0x4: {  	_ = 	snop  }
0x5: {  	_ = 	snop  }
0x6: {  	_ = 	snop  }
0x7: {  	_ = 	snop  }
__scs_overlays_trampoline_lowered:
0x8: {  	[smem:$0x3FAC] =	sst s0  }
0x9: {  	[smem:$0x3FAD] =	sst s1  }
0xa: {  	[smem:$0x3FAE] =	sst s2  }
0xb: {  	[smem:$0x3FAF] =	sst s3  }
0xc: {  	[smem:$0x3FB0] =	sst s4  }
0xd: {  	[smem:$0x3FB1] =	sst s5  }
0xe: {  	[smem:$0x3FB2] =	sst s6  }
0xf: {  	[smem:$0x3FB3] =	sst s7  }
0x10: {  	[smem:$0x3FB4] =	sst s8  }
0x11: {  	[smem:$0x3FB5] =	sst s9;
	s0 =	simm.s32 @!p0 $0x0  }
0x12: {  	s1 =	sld [smem:$0x3F9B];
	s0 =	simm.s32 @p0 $0x1  }
0x13: {  	[smem:$0x3FB6] =	sst s0;
	s0 =	simm.s32 @!p1 $0x0  }
0x14: {  	s2 =	sld [smem:$0x3F9A];
	s0 =	simm.s32 @p1 $0x1  }
0x15: {  	[smem:$0x3FB7] =	sst s0;
	s0 =	simm.s32 @!p2 $0x0  }
0x16: {  	s3 =	sld [smem:$0x3FDB];
	s0 =	simm.s32 @p2 $0x1  }
0x17: {  	s4 =	simm.s32 $0x1BF5;
	[smem:$0x3FB9] =	sst s0  }
0x18: {  	s0 =	sld [smem:$0x3F9C];
	_ =	swait.ge [sflag:s4], $0x0  }
0x19: {  	s7 =	sld [smem:$0x3F9D]  }
0x1a: {  	s8 =	sadd.s32 $0xFFFFE003, lr  }
0x1b: {  	s9 =	sadd.s32 $0xFFFFFEF7, lr;
	s5 =	simm.s32 $0xFFFFFFFF;
	p2 =	slt.u32 s8, $0xFFFFF086  }
0x1c: {  	p1 =	slt.u32 s9, $0xF7A;
	s5 =	simm.s32 @!p2 $0x0  }
0x1d: {  	s5 =	simm.s32 @p1 $0x1;
	p0 =	seq.s32 s7, s2  }
0x1e: {  	s7 =	smul.u32 @!p0 $0xF7A, s2;
	p2 =	seq.s32 @!p0 s5, $0x0  }
0x1f: {  	s9 =	smul.u32 $0xF7A, s1;
	s8 =	simm.s32 @!p0 $0x1BF5;
	p2 =	por !p2, p0  }
0x20: {  	[sflag:s8] =	ssyncset.s32 @!p0 $0xFFFFF086;
	s6 =	sadd.s32 @!p0 s3, s7;
	s7 =	simm.s32 @!p0 $0x108  }
0x21: {  	s3 =	sadd.s32 s3, s9;
	s6 =	sadd.s32 @!p0 $0x88, s6;
	s7 =	simm.s32 @p2 $0x1082  }
0x22: {  	[simem:s7], [sflag:s8] =	dma.local @!p0 [hbm:s6], $0xF7A  }
0x23: {  	s9 =	sor.u32 $0xD0000000, s2;
	s6 =	simm.s32 $0x108;
	_ =	swait.ge @!p0 [sflag:s8], $0x0  }
0x24: {  	s3 =	sadd.s32 $0x88, s3;
	s6 =	simm.s32 @!p1 $0x1082;
	[sflag:s4] =	ssyncset.s32 $0xFFFFF086  }
0x25: {  	[simem:s6], [sflag:s4] =	dma.local [hbm:s3], $0xF7A  }
0x26: {  	[smem:$0x3F9D] =	sst s1;
	(tag) =	ssettag s2;
	_ =	strace s9  }
0x27: {  	s1 =	sld [smem:$0x3FAD]  }
0x28: {  	s2 =	sld [smem:$0x3FAE]  }
0x29: {  	s4 =	sld [smem:$0x3FB0]  }
0x2a: {  	p0 =	seq.s32 s5, $0x0;
	s5 =	sld [smem:$0x3FB1]  }
0x2b: {  	s6 =	sld [smem:$0x3FB2]  }
0x2c: {  	s7 =	sld [smem:$0x3FB3]  }
0x2d: {  	s3 =	simm.s32 $0x108;
	s8 =	sld [smem:$0x3FB4]  }
0x2e: {  	s3 =	simm.s32 @!p0 $0x1082;
	s9 =	sld [smem:$0x3FB5]  }
0x2f: {  	lr =	sadd.s32 s0, s3;
	s0 =	sld [smem:$0x3FAC]  }
0x30: {  	s3 =	sld [smem:$0x3FAF]  }
0x31: {  	[smem:$0x3FB8] =	sst s10  }
0x32: {  	s10 =	sld [smem:$0x3FB6];
	_ =	sdelay $0x3  }
0x33: {  	p0 =	seq.s32 s10, $0x1;
	s10 =	sld [smem:$0x3FB8];
	_ =	sdelay $0x3  }
0x34: {  	[smem:$0x3FB8] =	sst s10  }
0x35: {  	s10 =	sld [smem:$0x3FB7];
	_ =	sdelay $0x3  }
0x36: {  	p1 =	seq.s32 s10, $0x1;
	s10 =	sld [smem:$0x3FB8];
	_ =	sdelay $0x3  }
0x37: {  	[smem:$0x3FB8] =	sst s10  }
0x38: {  	s10 =	sld [smem:$0x3FB9]  }
0x39: {  	_ = 	snop;
	(pc) =	sbr.ind lr, $3  }
0x3a: {  	_ = 	snop  }
0x3b: {  	_ = 	snop  }
0x3c: {  	p2 =	seq.s32 s10, $0x1;
	s10 =	sld [smem:$0x3FB8]  }
0x3d: {  	_ =	shalt  }
0x3e: {  	_ =	shalt  }
0x3f: {  	_ =	shalt  }
0x40: {  	_ =	shalt  }
0x41: {  	_ =	shalt  }
0x42: {  	_ =	shalt  }
0x43: {  	_ =	shalt  }
0x44: {  	_ =	shalt  }
0x45: {  	_ =	shalt  }
0x46: {  	_ =	shalt  }
0x47: {  	_ =	shalt  }
0x48: {  	_ =	shalt  }
0x49: {  	_ =	shalt  }
0x4a: {  	_ =	shalt  }
0x4b: {  	_ =	shalt  }
0x4c: {  	_ =	shalt  }
0x4d: {  	_ =	shalt  }
0x4e: {  	_ =	shalt  }
0x4f: {  	_ =	shalt  }
0x50: {  	_ =	shalt  }
0x51: {  	_ =	shalt  }
0x52: {  	_ =	shalt  }
0x53: {  	_ =	shalt  }
0x54: {  	_ =	shalt  }
0x55: {  	_ =	shalt  }
0x56: {  	_ =	shalt  }
0x57: {  	_ =	shalt  }
0x58: {  	_ =	shalt  }
0x59: {  	_ =	shalt  }
0x5a: {  	_ =	shalt  }
0x5b: {  	_ =	shalt  }
0x5c: {  	_ =	shalt  }
0x5d: {  	_ =	shalt  }
0x5e: {  	_ =	shalt  }
0x5f: {  	_ =	shalt  }
0x60: {  	_ =	shalt  }
0x61: {  	_ =	shalt  }
0x62: {  	_ =	shalt  }
0x63: {  	_ =	shalt  }
0x64: {  	_ =	shalt  }
0x65: {  	_ =	shalt  }
0x66: {  	_ =	shalt  }
0x67: {  	_ =	shalt  }
0x68: {  	_ =	shalt  }
0x69: {  	_ =	shalt  }
0x6a: {  	_ =	shalt  }
0x6b: {  	_ =	shalt  }
0x6c: {  	_ =	shalt  }
0x6d: {  	_ =	shalt  }
0x6e: {  	_ =	shalt  }
0x6f: {  	_ =	shalt  }
0x70: {  	_ =	shalt  }
0x71: {  	_ =	shalt  }
0x72: {  	_ =	shalt  }
0x73: {  	_ =	shalt  }
0x74: {  	_ =	shalt  }
0x75: {  	_ =	shalt  }
0x76: {  	_ =	shalt  }
0x77: {  	_ =	shalt  }
0x78: {  	_ =	shalt  }
0x79: {  	_ =	shalt  }
0x7a: {  	_ =	shalt  }
0x7b: {  	_ =	shalt  }
0x7c: {  	_ =	shalt  }
0x7d: {  	_ =	shalt  }
0x7e: {  	_ =	shalt  }
0x7f: {  	_ =	shalt  }
0x80: {  	_ =	shalt  }
0x81: {  	_ =	shalt  }
0x82: {  	_ =	shalt  }
0x83: {  	_ =	shalt  }
0x84: {  	_ =	shalt  }
0x85: {  	_ =	shalt  }
0x86: {  	_ =	shalt  }
0x87: {  	_ =	shalt  }
.Lfunc_end0:
.L_simem_size_0:
called_computation_lowered:
.L_overlay_start_0:
0x88: {  	s2 =	sld [smem:$0x3FD9]  }
0x89: {  	s3 =	sld [smem:$0x3FFE];
	_ =	sdelay $0x1  }
0x8a: {  	s1 =	srdreg.scid  }
0x8b: {  	s0 =	sand.u32 $0x1, s1  }
0x8c: {  	s17 =	sshll.u32 s0, $0xA;
	s2 =	sadd.s32 s3, s2  }
0x8d: {  	s2 =	sadd.s32 s2, s17  }
0x8e: {  	[smem:$0x3FC4] =	sst s2  }
0x8f: {  	_ = 	snop  }
0x90: {  	s2 =	sld [smem:$0x3FC9]  }
0x91: {  	s18 =	sld [smem:$0x3FC8]  }
0x92: {  	s4 =	sld [smem:$0x3FD0];
	(tm) =	ssettm $0x1  }
0x93: {  	s5 =	sld [smem:$0x3FFB];
	_ =	sdelay $0x3  }
0x94: {  	_ =	strace s5  }
0x95: {  	s5 =	sld [smem:$0x3FFC];
	_ =	sdelay $0x3  }
0x96: {  	_ =	strace s5  }
0x97: {  	s5 =	sld [smem:$0x3FFD];
	_ =	sdelay $0x3  }
0x98: {  	_ =	strace s5  }
0x99: {  	_ =	strace $0x8FFFFFFF  }
0x9a: {  	s19 =	sld [smem:$0x3FDB];
	_ =	sdelay $0x1  }
0x9b: {  	s6 =	simm.s32 $_scs_section_size  }
0x9c: {  	s7 =	simm.s32 $_size__tile_overlayer_lowered;
	s8 =	simm.s32 $_tile_overlayer_lowered  }
0x9d: {  	s22 =	simm.s32 $0x1BFF;
	s21 =	sshll.u32 s8, $0x1;
	s5 =	sadd.s32 s6, s19  }
0x9e: {  	s9 =	simm.s32 $0x0;
	s20 =	sshll.u32 s7, $0x1;
	s7 =	sadd.s32 s21, s5  }
0x9f: {  	[timem:s9], [sflag:s22] =	dma.local [hbm:s7], s20  }
0xa0: {  	_ =	swait.ge [sflag:s22], s20  }
0xa1: {  	s6 =	ssub.s32 $0x0, s20;
	[sflag:s22] =	ssyncset.done $0x0  }
0xa2: {  	[sflag:s22] =	ssyncadd.s32 s6;
	_ =	sdelay $0x1  }
0xa3: {  	s23 =	simm.s32 $0x1B8B  }
0xa4: {  	_ =	swait.ge [sflag:s23], $0x1  }
0xa5: {  	[sflag:s23] =	ssyncset.done $0x0  }
0xa6: {  	s25 =	simm.s32 $0x1B8E;
	s24 =	sld [smem:$0x3FFE];
	[sflag:s23] =	ssyncadd.s32 $0xFFFFFFFF  }
0xa7: {  	s26 =	simm.s32 $execute0_lowered;
	[smem:$0x3FD2] =	sst s25  }
0xa8: {  	s7 =	sshll.u32 s26, $0x1;
	_ =	strace $0x80000046;
	[dreg:$0x1] =	wrdreg $0xFFFFFFFF  }
0xa9: {  	s28 =	simm.s32 $_size_execute0_lowered;
	s5 =	sadd.s32 s5, s7;
	[dreg:$0x0] =	wrdreg $0x0  }
0xaa: {  	s7 =	sshll.u32 s28, $0x1;
	[dreg:$0x2] =	wrdreg s5  }
0xab: {  	[dreg:$0x3] =	wrdreg s7  }
0xac: {  	[dreg:$0x4] =	wrdreg $0xC0  }
0xad: {  	_ =	task [dreg:s9], $0x5FFFF  }
0xae: {  	[dreg:$0x1] =	wrdreg $0xFFFFFFFF  }
0xaf: {  	[dreg:$0x0] =	wrdreg $0x60  }
0xb0: {  	[dreg:$0x2] =	wrdreg s2  }
0xb1: {  	[dreg:$0x3] =	wrdreg s18  }
0xb2: {  	[dreg:$0x4] =	wrdreg s24  }
0xb3: {  	[dreg:$0x5] =	wrdreg s4  }
0xb4: {  	[dreg:$0x6] =	wrdreg $0x9  }
0xb5: {  	_ =	task.clear_ibuf [dreg:s9], $0x7FFFF;
	_ =	strace $0x90000046  }
0xb6: {  	s29 =	simm.s32 $0x9;
	_ =	strace $0x80000048  }
0xb7: {  	_ =	swait.ge [sflag:s29], $0x1  }
0xb8: {  	[sflag:s29] =	ssyncadd.s32 $0xFFFFFFFF  }
0xb9: {  	_ =	strace $0x90000048  }
0xba: {  	_ =	sfence  }
0xbb: {  	s30 =	sld [smem:$0x0];
	_ =	sdelay $0x2  }
0xbc: {  	s31 =	sshll.u32 s1, $0xD;
	s1 =	sshrl.u32 s1, $0x2  }
0xbd: {  	s3 =	sand.u32 $0x4000, s31;
	s1 =	sadd.s32 s1, s30  }
0xbe: {  	s0 =	sor.u32 s3, s0;
	s1 =	sshll.u32 s1, $0x11  }
0xbf: {  	s0 =	sor.u32 s1, s0  }
0xc0: {  	s0 =	sadd.s32 $0x8F2B, s0  }
0xc1: {  	[sflag:s0] =	ssyncadd.remote.s32 $0x1  }
0xc2: {  	_ =	sfence.sel $0xFFFF  }
0xc3: {  	[dreg:$0x0] =	wrdreg $0xFFFFFFFF;
	(pc) =	sbr.abs _section_cstart, $3  }
0xc4: {  	[dreg:$0x1] =	wrdreg $0xFFFFFFFF  }
0xc5: {  	_ =	task.clear_ibuf [dreg:s9], $0x2FFFF;
	_ =	strace $0x9FFFFFFF  }
0xc6: {  	(tm) =	ssettm $0x7FFFFFFF  }
0xc7: {  	_ =	shalt  }
tec
execute0_lowered:
.L_overlay_start_1:
0x0: {  	(tag) =	ssettag $0x1  }
0x1: {  	s5 =	rddreg [dreg:$0x0]  }
0x2: {  	s6 =	rddreg [dreg:$0x1]  }
0x3: {  	s4 =	rddreg [dreg:$0x2]  }
0x4: {  	s7 =	rddreg [dreg:$0x3]  }
0x5: {  	s0 =	rddreg [dreg:$0x4];
	s1 =	simm.s32 $0x0  }
0x6: {  	s8 =	srdreg.scid;
	s2 =	stileid.u32;
	s12 =	simm.s32 $0x400  }
0x7: {  	s13 =	simm.s32 $0x2400;
	s14 =	simm.s32 $0xC00;
	s15 =	simm.s32 $0x280  }
0x8: {  	s16 =	simm.s32 $0x2C00;
	s17 =	simm.s32 $0x100;
	s18 =	simm.s32 $0x1400  }
0x9: {  	s19 =	simm.s32 $0x300;
	s20 =	simm.s32 $0x3400;
	s21 =	simm.s32 $0x180  }
0xa: {  	s22 =	simm.s32 $0x1C00;
	s23 =	simm.s32 $0x380;
	s24 =	simm.s32 $0x3C00  }
0xb: {  	s25 =	simm.s32 $0x1;
	s26 =	simm.s32 $0x4400;
	s28 =	simm.s32 $0x0  }
0xc: {  	[smem:$0x7FF] =	sst s1;
	s3 =	sadd.s32 $0xF42800, s4;
	s8 =	sand.u32 $0x1, s8  }
0xd: {  	s10 =	sshll.u32 s2, $0x7;
	s4 =	sadd.s32 $0x112AE00, s4;
	s9 =	ssub.s32 $0x2, s8  }
0xe: {  	_ =	strace $0x80000047;
	s8 =	sshll.u32 s8, $0x6;
	s11 =	sshrl.u32 s9, $0x1  }
0xf: {  	v0 =	vlaneseq.u32;
	s8 =	sor.u32 s8, s10;
	s10 =	simm.s32 $0x200;
	s9 =	ssub.s32 s9, s11  }
0x10: {  	v0 =	vmul.u32 $0x10, v0;
	s5 =	sadd.s32 s5, s8;
	s6 =	sadd.s32 s6, s8;
	s7 =	sadd.s32 s7, s8  }
0x11: {  	s11 =	simm.s32 $0x80;
	s8 =	smax.u32 s9, $0x1;
	s9 =	simm.s32 $0x2  }
.LBB2_1:
0x12: {  	[tilespmem:s1], [sflag:$0x2] =	stream.linear.gather [hbm4b:s5+s1], $0x200, $0x38;
	[tilespmem:$0x4600] =	vst v63  }
0x13: {  	_ =	swait.ge [sflag:s9], $0x200  }
0x14: {  	[sflag:s9] =	ssyncset.done $0x0  }
0x15: {  	[sflag:s9] =	ssyncadd.s32 $0xFFFFFE00  }
0x16: {  	[tilespmem:s10], [sflag:$0x2] =	stream.linear.gather [hbm4b:s6+s1], $0x200, $0x38;
	[tilespmem:$0x4600] =	vst v63  }
0x17: {  	_ =	swait.ge [sflag:s9], $0x200  }
0x18: {  	[sflag:s9] =	ssyncset.done $0x0  }
0x19: {  	[sflag:s9] =	ssyncadd.s32 $0xFFFFFE00  }
0x1a: {  	[tilespmem:s12], [sflag:$0x1] =	stream.indirect.gather [hbm4b:s3+s11], $0x10, s1, s11, $0xb8;
	[tilespmem:$0x4600] =	vst v63  }
0x1b: {  	_ = 	snop  }
0x1c: {  	[tilespmem:s13], [sflag:$0x1] =	stream.indirect.gather [hbm4b:s4+s11], $0x10, s10, s11, $0xb8;
	[tilespmem:$0x4600] =	vst v63  }
0x1d: {  	_ = 	snop  }
0x1e: {  	[tilespmem:s14], [sflag:$0x1] =	stream.indirect.gather [hbm4b:s3+s11], $0x10, s11, s11, $0xb8;
	[tilespmem:$0x4600] =	vst v63  }
0x1f: {  	_ = 	snop  }
0x20: {  	[tilespmem:s16], [sflag:$0x1] =	stream.indirect.gather [hbm4b:s4+s11], $0x10, s15, s11, $0xb8;
	[tilespmem:$0x4600] =	vst v63  }
0x21: {  	_ = 	snop  }
0x22: {  	[tilespmem:s18], [sflag:$0x1] =	stream.indirect.gather [hbm4b:s3+s11], $0x10, s17, s11, $0xb8;
	[tilespmem:$0x4600] =	vst v63  }
0x23: {  	_ = 	snop  }
0x24: {  	[tilespmem:s20], [sflag:$0x1] =	stream.indirect.gather [hbm4b:s4+s11], $0x10, s19, s11, $0xb8;
	[tilespmem:$0x4600] =	vst v63  }
0x25: {  	_ = 	snop  }
0x26: {  	[tilespmem:s22], [sflag:$0x1] =	stream.indirect.gather [hbm4b:s3+s11], $0x10, s21, s11, $0xb8;
	[tilespmem:$0x4600] =	vst v63  }
0x27: {  	_ = 	snop  }
0x28: {  	[tilespmem:s24], [sflag:$0x1] =	stream.indirect.gather [hbm4b:s4+s11], $0x10, s23, s11, $0xb8;
	[tilespmem:$0x4600] =	vst v63  }
0x29: {  	_ =	swait.ge [sflag:s25], $0x800  }
0x2a: {  	[sflag:s25] =	ssyncset.done $0x0  }
0x2b: {  	[sflag:s25] =	ssyncadd.s32 $0xFFFFF800  }
0x2c: {  	_ =	swait.ge [sflag:s25], $0x800  }
0x2d: {  	[sflag:s25] =	ssyncset.done $0x0  }
0x2e: {  	[sflag:s25] =	ssyncadd.s32 $0xFFFFF800  }
0x2f: {  	_ =	swait.ge [sflag:s25], $0x800  }
0x30: {  	[sflag:s25] =	ssyncset.done $0x0  }
0x31: {  	[sflag:s25] =	ssyncadd.s32 $0xFFFFF800  }
0x32: {  	_ =	swait.ge [sflag:s25], $0x800  }
0x33: {  	[sflag:s25] =	ssyncset.done $0x0  }
0x34: {  	[sflag:s25] =	ssyncadd.s32 $0xFFFFF800  }
0x35: {  	_ =	swait.ge [sflag:s25], $0x800  }
0x36: {  	[sflag:s25] =	ssyncset.done $0x0  }
0x37: {  	[sflag:s25] =	ssyncadd.s32 $0xFFFFF800  }
0x38: {  	_ =	swait.ge [sflag:s25], $0x800  }
0x39: {  	[sflag:s25] =	ssyncset.done $0x0  }
0x3a: {  	v1 =	vmov s1;
	[sflag:s25] =	ssyncadd.s32 $0xFFFFF800  }
0x3b: {  	v1 =	vshll.u32 v1, $0x4;
	_ =	swait.ge [sflag:s25], $0x800  }
0x3c: {  	v1 =	vor.u32 v0, v1;
	[sflag:s25] =	ssyncset.done $0x0  }
0x3d: {  	[sflag:s25] =	ssyncadd.s32 $0xFFFFF800  }
0x3e: {  	v2 =	vor.u32 $0x1, v1;
	_ =	swait.ge [sflag:s25], $0x800  }
0x3f: {  	[sflag:s25] =	ssyncset.done $0x0  }
0x40: {  	v3 =	vor.u32 $0x2, v1;
	[sflag:s25] =	ssyncadd.s32 $0xFFFFF800  }
0x41: {  	v4 =	vld.idx.msk [tilespmem:v1+s13+$0x0], $0xffff  }
0x42: {  	v6 =	vor.u32 $0x3, v1;
	v5 =	vld.idx.msk [tilespmem:v1+s12+$0x0], $0xffff  }
0x43: {  	v7 =	vld.idx.msk [tilespmem:v2+s12+$0x0], $0xffff  }
0x44: {  	v8 =	vor.u32 $0x4, v1;
	v2 =	vld.idx.msk [tilespmem:v2+s13+$0x0], $0xffff  }
0x45: {  	v9 =	vld.idx.msk [tilespmem:v3+s12+$0x0], $0xffff  }
0x46: {  	v10 =	vor.u32 $0x5, v1;
	v3 =	vld.idx.msk [tilespmem:v3+s13+$0x0], $0xffff  }
0x47: {  	v11 =	vld.idx.msk [tilespmem:v6+s12+$0x0], $0xffff;
	v4 =	vmul.f32 v4, v5  }
0x48: {  	v5 =	vld.idx.msk [tilespmem:v6+s13+$0x0], $0xffff;
	v6 =	vor.u32 $0x6, v1  }
0x49: {  	v12 =	vld.idx.msk [tilespmem:v8+s12+$0x0], $0xffff;
	v2 =	vmul.f32 v2, v7;
	v4 =	vadd.f32 $0.0e+00, v4  }
0x4a: {  	v29 =	vor.u32 $0x7, v1;
	v7 =	vld.idx.msk [tilespmem:v8+s13+$0x0], $0xffff  }
0x4b: {  	v13 =	vld.idx.msk [tilespmem:v10+s12+$0x0], $0xffff;
	v3 =	vmul.f32 v3, v9;
	v2 =	vadd.f32 v2, v4  }
0x4c: {  	v30 =	vor.u32 $0x8, v1;
	v4 =	vld.idx.msk [tilespmem:v10+s13+$0x0], $0xffff  }
0x4d: {  	v31 =	vld.idx.msk [tilespmem:v6+s12+$0x0], $0xffff;
	v2 =	vadd.f32 v3, v2;
	v3 =	vmul.f32 v5, v11  }
0x4e: {  	v5 =	vld.idx.msk [tilespmem:v6+s13+$0x0], $0xffff;
	v6 =	vor.u32 $0x9, v1  }
0x4f: {  	v32 =	vld.idx.msk [tilespmem:v29+s12+$0x0], $0xffff;
	v2 =	vadd.f32 v3, v2;
	v3 =	vmul.f32 v7, v12  }
0x50: {  	v33 =	vor.u32 $0xA, v1;
	v7 =	vld.idx.msk [tilespmem:v29+s13+$0x0], $0xffff  }
0x51: {  	v34 =	vld.idx.msk [tilespmem:v30+s12+$0x0], $0xffff;
	v2 =	vadd.f32 v3, v2;
	v3 =	vmul.f32 v4, v13  }
0x52: {  	v35 =	vor.u32 $0xB, v1;
	v4 =	vld.idx.msk [tilespmem:v30+s13+$0x0], $0xffff  }
0x53: {  	v36 =	vld.idx.msk [tilespmem:v6+s12+$0x0], $0xffff;
	v2 =	vadd.f32 v3, v2;
	v3 =	vmul.f32 v5, v31  }
0x54: {  	v5 =	vld.idx.msk [tilespmem:v6+s13+$0x0], $0xffff;
	v6 =	vor.u32 $0xC, v1  }
0x55: {  	v37 =	vld.idx.msk [tilespmem:v33+s12+$0x0], $0xffff;
	v2 =	vadd.f32 v3, v2;
	v3 =	vmul.f32 v7, v32  }
0x56: {  	v38 =	vor.u32 $0xD, v1;
	v7 =	vld.idx.msk [tilespmem:v33+s13+$0x0], $0xffff  }
0x57: {  	v39 =	vld.idx.msk [tilespmem:v35+s12+$0x0], $0xffff;
	v2 =	vadd.f32 v3, v2;
	v3 =	vmul.f32 v4, v34  }
0x58: {  	v40 =	vor.u32 $0xE, v1;
	v4 =	vld.idx.msk [tilespmem:v35+s13+$0x0], $0xffff  }
0x59: {  	v41 =	vld.idx.msk [tilespmem:v6+s12+$0x0], $0xffff;
	v2 =	vadd.f32 v3, v2;
	v3 =	vmul.f32 v5, v36  }
0x5a: {  	v1 =	vor.u32 $0xF, v1;
	v5 =	vld.idx.msk [tilespmem:v6+s13+$0x0], $0xffff  }
0x5b: {  	v6 =	vld.idx.msk [tilespmem:v38+s12+$0x0], $0xffff;
	v2 =	vadd.f32 v3, v2;
	v3 =	vmul.f32 v7, v37  }
0x5c: {  	v7 =	vld.idx.msk [tilespmem:v38+s13+$0x0], $0xffff  }
0x5d: {  	v42 =	vld.idx.msk [tilespmem:v40+s12+$0x0], $0xffff;
	v2 =	vadd.f32 v3, v2;
	v3 =	vmul.f32 v4, v39  }
0x5e: {  	v4 =	vld.idx.msk [tilespmem:v40+s13+$0x0], $0xffff  }
0x5f: {  	v43 =	vld.idx.msk [tilespmem:v1+s12+$0x0], $0xffff;
	v2 =	vadd.f32 v3, v2;
	v3 =	vmul.f32 v5, v41  }
0x60: {  	v1 =	vld.idx.msk [tilespmem:v1+s13+$0x0], $0xffff  }
0x61: {  	v2 =	vadd.f32 v3, v2;
	v3 =	vmul.f32 v7, v6  }
0x62: {  	s29 =	simm.s32 $0x10  }
0x63: {  	v5 =	vmov s29;
	v2 =	vadd.f32 v3, v2;
	v3 =	vmul.f32 v4, v42  }
0x64: {  	v4 =	vshll.u32 v5, $0x4  }
0x65: {  	v1 =	vmul.f32 v1, v43;
	v4 =	vor.u32 v0, v4;
	v2 =	vadd.f32 v3, v2;
	_ =	sdelay $0x1  }
0x66: {  	v3 =	vor.u32 $0x1, v4;
	v1 =	vadd.f32 v1, v2;
	_ =	sdelay $0x1  }
0x67: {  	v2 =	vor.u32 $0x2, v4;
	[tilespmem:s26+$0x0] =	vst v1  }
0x68: {  	v1 =	vld.idx.msk [tilespmem:v4+s13+$0x0], $0xffff  }
0x69: {  	v6 =	vor.u32 $0x3, v4;
	v5 =	vld.idx.msk [tilespmem:v4+s12+$0x0], $0xffff  }
0x6a: {  	v7 =	vld.idx.msk [tilespmem:v3+s12+$0x0], $0xffff  }
0x6b: {  	v44 =	vor.u32 $0x4, v4;
	v3 =	vld.idx.msk [tilespmem:v3+s13+$0x0], $0xffff  }
0x6c: {  	v45 =	vld.idx.msk [tilespmem:v2+s12+$0x0], $0xffff  }
0x6d: {  	v46 =	vor.u32 $0x5, v4;
	v2 =	vld.idx.msk [tilespmem:v2+s13+$0x0], $0xffff  }
0x6e: {  	v47 =	vld.idx.msk [tilespmem:v6+s12+$0x0], $0xffff;
	v1 =	vmul.f32 v1, v5  }
0x6f: {  	v5 =	vld.idx.msk [tilespmem:v6+s13+$0x0], $0xffff;
	v6 =	vor.u32 $0x6, v4  }
0x70: {  	v48 =	vld.idx.msk [tilespmem:v44+s12+$0x0], $0xffff;
	v3 =	vmul.f32 v3, v7;
	v1 =	vadd.f32 $0.0e+00, v1  }
0x71: {  	v49 =	vor.u32 $0x7, v4;
	v7 =	vld.idx.msk [tilespmem:v44+s13+$0x0], $0xffff  }
0x72: {  	v50 =	vld.idx.msk [tilespmem:v46+s12+$0x0], $0xffff;
	v2 =	vmul.f32 v2, v45;
	v1 =	vadd.f32 v3, v1  }
0x73: {  	v51 =	vor.u32 $0x8, v4;
	v3 =	vld.idx.msk [tilespmem:v46+s13+$0x0], $0xffff  }
0x74: {  	v52 =	vld.idx.msk [tilespmem:v6+s12+$0x0], $0xffff;
	v1 =	vadd.f32 v2, v1;
	v2 =	vmul.f32 v5, v47  }
0x75: {  	v5 =	vld.idx.msk [tilespmem:v6+s13+$0x0], $0xffff;
	v6 =	vor.u32 $0x9, v4  }
0x76: {  	v53 =	vld.idx.msk [tilespmem:v49+s12+$0x0], $0xffff;
	v1 =	vadd.f32 v2, v1;
	v2 =	vmul.f32 v7, v48  }
0x77: {  	v54 =	vor.u32 $0xA, v4;
	v7 =	vld.idx.msk [tilespmem:v49+s13+$0x0], $0xffff  }
0x78: {  	v55 =	vld.idx.msk [tilespmem:v51+s12+$0x0], $0xffff;
	v1 =	vadd.f32 v2, v1;
	v2 =	vmul.f32 v3, v50  }
0x79: {  	v56 =	vor.u32 $0xB, v4;
	v3 =	vld.idx.msk [tilespmem:v51+s13+$0x0], $0xffff  }
0x7a: {  	v57 =	vld.idx.msk [tilespmem:v6+s12+$0x0], $0xffff;
	v1 =	vadd.f32 v2, v1;
	v2 =	vmul.f32 v5, v52  }
0x7b: {  	v5 =	vld.idx.msk [tilespmem:v6+s13+$0x0], $0xffff;
	v6 =	vor.u32 $0xC, v4  }
0x7c: {  	v58 =	vld.idx.msk [tilespmem:v54+s12+$0x0], $0xffff;
	v1 =	vadd.f32 v2, v1;
	v2 =	vmul.f32 v7, v53  }
0x7d: {  	v7 =	vld.idx.msk [tilespmem:v54+s13+$0x0], $0xffff  }
0x7e: {  	v60 =	vld.idx.msk [tilespmem:v56+s12+$0x0], $0xffff;
	v1 =	vadd.f32 v2, v1;
	v2 =	vmul.f32 v3, v55  }
0x7f: {  	v59 =	vor.u32 $0xD, v4;
	v3 =	vld.idx.msk [tilespmem:v56+s13+$0x0], $0xffff  }
0x80: {  	v62 =	vld.idx.msk [tilespmem:v6+s12+$0x0], $0xffff;
	v1 =	vadd.f32 v2, v1;
	v2 =	vmul.f32 v5, v57  }
0x81: {  	v61 =	vor.u32 $0xE, v4;
	v5 =	vld.idx.msk [tilespmem:v6+s13+$0x0], $0xffff  }
0x82: {  	v1 =	vadd.f32 v2, v1;
	v2 =	vmul.f32 v7, v58  }
0x83: {  	v4 =	vor.u32 $0xF, v4  }
0x84: {  	v6 =	vld.idx.msk [tilespmem:v59+s12+$0x0], $0xffff;
	v1 =	vadd.f32 v2, v1;
	v2 =	vmul.f32 v3, v60  }
0x85: {  	v7 =	vld.idx.msk [tilespmem:v59+s13+$0x0], $0xffff  }
0x86: {  	v63 =	vld.idx.msk [tilespmem:v61+s12+$0x0], $0xffff;
	v1 =	vadd.f32 v2, v1;
	v2 =	vmul.f32 v5, v62  }
0x87: {  	v9 =	vld.idx.msk [tilespmem:v61+s13+$0x0], $0xffff  }
0x88: {  	v3 =	vadd.f32 v2, v1;
	v1 =	vld.idx.msk [tilespmem:v4+s12+$0x0], $0xffff  }
0x89: {  	v2 =	vld.idx.msk [tilespmem:v4+s13+$0x0], $0xffff  }
0x8a: {  	v5 =	vmul.f32 v7, v6  }
0x8b: {  	s29 =	simm.s32 $0x20  }
0x8c: {  	v6 =	vmov s29;
	v4 =	vmul.f32 v9, v63;
	v3 =	vadd.f32 v5, v3  }
0x8d: {  	s30 =	simm.s32 $0x30;
	s29 =	simm.s32 $0x4400;
	v5 =	vshll.u32 v6, $0x4  }
.LBB2_2:
0x8e: {  	p0 =	sne.s32 s30, $0x1F0;
	v5 =	vor.u32 v0, v5;
	v3 =	vadd.f32 v4, v3;
	v1 =	vmul.f32 v2, v1;
	_ =	sdelay $0x1  }
0x8f: {  	v2 =	vor.u32 $0x1, v5;
	v1 =	vadd.f32 v1, v3  }
0x90: {  	s29 =	sadd.s32 $0x10, s29  }
0x91: {  	v3 =	vor.u32 $0x2, v5;
	[tilespmem:s29+$0x0] =	vst v1  }
0x92: {  	v1 =	vld.idx.msk [tilespmem:v5+s13+$0x0], $0xffff  }
0x93: {  	v6 =	vor.u32 $0x3, v5;
	v4 =	vld.idx.msk [tilespmem:v5+s12+$0x0], $0xffff  }
0x94: {  	v7 =	vld.idx.msk [tilespmem:v2+s12+$0x0], $0xffff  }
0x95: {  	v8 =	vor.u32 $0x4, v5;
	v2 =	vld.idx.msk [tilespmem:v2+s13+$0x0], $0xffff  }
0x96: {  	v9 =	vld.idx.msk [tilespmem:v3+s12+$0x0], $0xffff  }
0x97: {  	v10 =	vor.u32 $0x5, v5;
	v3 =	vld.idx.msk [tilespmem:v3+s13+$0x0], $0xffff  }
0x98: {  	v11 =	vld.idx.msk [tilespmem:v6+s12+$0x0], $0xffff  }
0x99: {  	v1 =	vmul.f32 v1, v4;
	v4 =	vld.idx.msk [tilespmem:v6+s13+$0x0], $0xffff;
	v6 =	vor.u32 $0x6, v5  }
0x9a: {  	v12 =	vld.idx.msk [tilespmem:v8+s12+$0x0], $0xffff  }
0x9b: {  	v1 =	vadd.f32 $0.0e+00, v1;
	v2 =	vmul.f32 v2, v7;
	v7 =	vld.idx.msk [tilespmem:v8+s13+$0x0], $0xffff;
	v8 =	vor.u32 $0x7, v5  }
0x9c: {  	v13 =	vld.idx.msk [tilespmem:v10+s12+$0x0], $0xffff  }
0x9d: {  	v1 =	vadd.f32 v2, v1;
	v2 =	vmul.f32 v3, v9;
	v9 =	vor.u32 $0x8, v5;
	v3 =	vld.idx.msk [tilespmem:v10+s13+$0x0], $0xffff  }
0x9e: {  	v10 =	vld.idx.msk [tilespmem:v6+s12+$0x0], $0xffff  }
0x9f: {  	v1 =	vadd.f32 v2, v1;
	v2 =	vmul.f32 v4, v11;
	v4 =	vld.idx.msk [tilespmem:v6+s13+$0x0], $0xffff;
	v6 =	vor.u32 $0x9, v5  }
0xa0: {  	v11 =	vld.idx.msk [tilespmem:v8+s12+$0x0], $0xffff  }
0xa1: {  	v1 =	vadd.f32 v2, v1;
	v2 =	vmul.f32 v7, v12;
	v7 =	vld.idx.msk [tilespmem:v8+s13+$0x0], $0xffff;
	v8 =	vor.u32 $0xA, v5  }
0xa2: {  	v12 =	vld.idx.msk [tilespmem:v9+s12+$0x0], $0xffff  }
0xa3: {  	v1 =	vadd.f32 v2, v1;
	v2 =	vmul.f32 v3, v13;
	v3 =	vld.idx.msk [tilespmem:v9+s13+$0x0], $0xffff;
	v9 =	vor.u32 $0xB, v5  }
0xa4: {  	v13 =	vld.idx.msk [tilespmem:v6+s12+$0x0], $0xffff  }
0xa5: {  	v1 =	vadd.f32 v2, v1;
	v2 =	vmul.f32 v4, v10;
	v4 =	vld.idx.msk [tilespmem:v6+s13+$0x0], $0xffff;
	v6 =	vor.u32 $0xC, v5  }
0xa6: {  	v10 =	vld.idx.msk [tilespmem:v8+s12+$0x0], $0xffff  }
0xa7: {  	v1 =	vadd.f32 v2, v1;
	v2 =	vmul.f32 v7, v11;
	v7 =	vld.idx.msk [tilespmem:v8+s13+$0x0], $0xffff;
	v8 =	vor.u32 $0xD, v5  }
0xa8: {  	v11 =	vld.idx.msk [tilespmem:v9+s12+$0x0], $0xffff  }
0xa9: {  	v1 =	vadd.f32 v2, v1;
	v2 =	vmul.f32 v3, v12;
	v3 =	vld.idx.msk [tilespmem:v9+s13+$0x0], $0xffff;
	v9 =	vor.u32 $0xE, v5  }
0xaa: {  	v12 =	vld.idx.msk [tilespmem:v6+s12+$0x0], $0xffff  }
0xab: {  	v5 =	vor.u32 $0xF, v5;
	v1 =	vadd.f32 v2, v1;
	v2 =	vmul.f32 v4, v13;
	v4 =	vld.idx.msk [tilespmem:v6+s13+$0x0], $0xffff  }
0xac: {  	v6 =	vld.idx.msk [tilespmem:v8+s12+$0x0], $0xffff  }
0xad: {  	v1 =	vadd.f32 v2, v1;
	v2 =	vmul.f32 v7, v10;
	v7 =	vld.idx.msk [tilespmem:v8+s13+$0x0], $0xffff  }
0xae: {  	v8 =	vld.idx.msk [tilespmem:v9+s12+$0x0], $0xffff  }
0xaf: {  	v2 =	vadd.f32 v2, v1;
	v3 =	vmul.f32 v3, v11;
	v9 =	vld.idx.msk [tilespmem:v9+s13+$0x0], $0xffff  }
0xb0: {  	v1 =	vld.idx.msk [tilespmem:v5+s12+$0x0], $0xffff  }
0xb1: {  	v3 =	vadd.f32 v3, v2;
	v4 =	vmul.f32 v4, v12;
	v2 =	vld.idx.msk [tilespmem:v5+s13+$0x0], $0xffff  }
.Ltmp0:
0xb2: {  	(pc) =	sbr.rel @p0 .LBB2_2-.Ltmp0, $3  }
0xb3: {  	v3 =	vadd.f32 v4, v3;
	v4 =	vmul.f32 v7, v6;
	_ =	sdelay $0x1  }
0xb4: {  	v5 =	vmov s30;
	v3 =	vadd.f32 v4, v3;
	v4 =	vmul.f32 v9, v8  }
0xb5: {  	s30 =	sadd.s32 $0x10, s30;
	v5 =	vshll.u32 v5, $0x4  }
0xb6: {  	v5 =	vor.u32 v0, v5;
	v3 =	vadd.f32 v4, v3;
	v1 =	vmul.f32 v2, v1;
	_ =	sdelay $0x1  }
0xb7: {  	v2 =	vor.u32 $0x1, v5;
	v1 =	vadd.f32 v1, v3  }
0xb8: {  	s29 =	sadd.s32 $0x10, s29  }
0xb9: {  	v3 =	vor.u32 $0x2, v5;
	[tilespmem:s29+$0x0] =	vst v1  }
0xba: {  	v1 =	vld.idx.msk [tilespmem:v5+s13+$0x0], $0xffff  }
0xbb: {  	v6 =	vor.u32 $0x3, v5;
	v35 =	vld.idx.msk [tilespmem:v5+s12+$0x0], $0xffff  }
0xbc: {  	v7 =	vld.idx.msk [tilespmem:v2+s12+$0x0], $0xffff  }
0xbd: {  	v8 =	vor.u32 $0x4, v5;
	v2 =	vld.idx.msk [tilespmem:v2+s13+$0x0], $0xffff  }
0xbe: {  	v9 =	vld.idx.msk [tilespmem:v3+s12+$0x0], $0xffff  }
0xbf: {  	v10 =	vor.u32 $0x5, v5;
	v3 =	vld.idx.msk [tilespmem:v3+s13+$0x0], $0xffff  }
0xc0: {  	v11 =	vld.idx.msk [tilespmem:v6+s12+$0x0], $0xffff;
	v1 =	vmul.f32 v1, v35  }
0xc1: {  	v37 =	vor.u32 $0x6, v5;
	v36 =	vld.idx.msk [tilespmem:v6+s13+$0x0], $0xffff  }
0xc2: {  	v12 =	vld.idx.msk [tilespmem:v8+s12+$0x0], $0xffff;
	v2 =	vmul.f32 v2, v7;
	v1 =	vadd.f32 $0.0e+00, v1  }
0xc3: {  	v39 =	vor.u32 $0x7, v5;
	v38 =	vld.idx.msk [tilespmem:v8+s13+$0x0], $0xffff  }
0xc4: {  	v13 =	vld.idx.msk [tilespmem:v10+s12+$0x0], $0xffff;
	v1 =	vadd.f32 v2, v1;
	v2 =	vmul.f32 v3, v9  }
0xc5: {  	v40 =	vor.u32 $0x8, v5;
	v3 =	vld.idx.msk [tilespmem:v10+s13+$0x0], $0xffff  }
0xc6: {  	v41 =	vld.idx.msk [tilespmem:v37+s12+$0x0], $0xffff;
	v1 =	vadd.f32 v2, v1;
	v2 =	vmul.f32 v36, v11  }
0xc7: {  	v43 =	vor.u32 $0x9, v5;
	v42 =	vld.idx.msk [tilespmem:v37+s13+$0x0], $0xffff  }
0xc8: {  	v44 =	vld.idx.msk [tilespmem:v39+s12+$0x0], $0xffff;
	v1 =	vadd.f32 v2, v1;
	v2 =	vmul.f32 v38, v12  }
0xc9: {  	v46 =	vor.u32 $0xA, v5;
	v45 =	vld.idx.msk [tilespmem:v39+s13+$0x0], $0xffff  }
0xca: {  	v47 =	vld.idx.msk [tilespmem:v40+s12+$0x0], $0xffff;
	v1 =	vadd.f32 v2, v1;
	v2 =	vmul.f32 v3, v13  }
0xcb: {  	v48 =	vor.u32 $0xB, v5;
	v3 =	vld.idx.msk [tilespmem:v40+s13+$0x0], $0xffff  }
0xcc: {  	v49 =	vld.idx.msk [tilespmem:v43+s12+$0x0], $0xffff;
	v1 =	vadd.f32 v2, v1;
	v2 =	vmul.f32 v42, v41  }
0xcd: {  	v51 =	vor.u32 $0xC, v5;
	v50 =	vld.idx.msk [tilespmem:v43+s13+$0x0], $0xffff  }
0xce: {  	v52 =	vld.idx.msk [tilespmem:v46+s12+$0x0], $0xffff;
	v1 =	vadd.f32 v2, v1;
	v2 =	vmul.f32 v45, v44  }
0xcf: {  	v54 =	vor.u32 $0xD, v5;
	v53 =	vld.idx.msk [tilespmem:v46+s13+$0x0], $0xffff  }
0xd0: {  	v55 =	vld.idx.msk [tilespmem:v48+s12+$0x0], $0xffff;
	v1 =	vadd.f32 v2, v1;
	v2 =	vmul.f32 v3, v47  }
0xd1: {  	v56 =	vor.u32 $0xE, v5;
	v3 =	vld.idx.msk [tilespmem:v48+s13+$0x0], $0xffff  }
0xd2: {  	v57 =	vld.idx.msk [tilespmem:v51+s12+$0x0], $0xffff;
	v1 =	vadd.f32 v2, v1;
	v2 =	vmul.f32 v50, v49  }
0xd3: {  	v5 =	vor.u32 $0xF, v5;
	v58 =	vld.idx.msk [tilespmem:v51+s13+$0x0], $0xffff  }
0xd4: {  	v59 =	vld.idx.msk [tilespmem:v54+s12+$0x0], $0xffff;
	v1 =	vadd.f32 v2, v1;
	v2 =	vmul.f32 v53, v52  }
0xd5: {  	v60 =	vld.idx.msk [tilespmem:v54+s13+$0x0], $0xffff  }
0xd6: {  	v61 =	vld.idx.msk [tilespmem:v56+s12+$0x0], $0xffff;
	v1 =	vadd.f32 v2, v1;
	v2 =	vmul.f32 v3, v55  }
0xd7: {  	v3 =	vld.idx.msk [tilespmem:v56+s13+$0x0], $0xffff  }
0xd8: {  	v62 =	vld.idx.msk [tilespmem:v5+s12+$0x0], $0xffff;
	v1 =	vadd.f32 v2, v1;
	v2 =	vmul.f32 v58, v57  }
0xd9: {  	v63 =	vld.idx.msk [tilespmem:v5+s13+$0x0], $0xffff  }
0xda: {  	v1 =	vadd.f32 v2, v1;
	v2 =	vmul.f32 v60, v59;
	_ =	sdelay $0x1  }
0xdb: {  	v1 =	vadd.f32 v2, v1;
	v2 =	vmul.f32 v3, v61;
	_ =	sdelay $0x1  }
0xdc: {  	v1 =	vadd.f32 v2, v1;
	v2 =	vmul.f32 v63, v62;
	_ =	sdelay $0x1  }
0xdd: {  	s28 =	sadd.s32 $0x1, s28;
	v1 =	vadd.f32 v2, v1  }
0xde: {  	p0 =	sne.s32 s28, s8;
	s29 =	sadd.s32 $0x10, s29  }
.Ltmp1:
0xdf: {  	[tilespmem:s29+$0x0] =	vst v1;
	(pc) =	sbr.rel @p0 .LBB2_1-.Ltmp1, $4  }
0xe0: {  	[hbm4b:s7+s1] =	stream.linear.scatter [tilespmem:s26], [sflag:$0x2], $0x200, $0x38;
	[tilespmem:$0x4600] =	vst v63  }
0xe1: {  	_ =	swait.ge [sflag:s9], $0x200  }
0xe2: {  	[sflag:s9] =	ssyncset.done $0x0  }
0xe3: {  	[sflag:s9] =	ssyncadd.s32 $0xFFFFFE00  }
0xe4: {  	_ =	sfence.sel $0x180000  }
0xe5: {  	[bflag:$0x0] =	sbarrier.arrive $0xFFFF  }
0xe6: {  	p0 =	sne.s32 s2, $0x0;
	_ =	strace $0x90000047  }
0xe7: {  	s0 =	sadd.s32 @!p0 $0x100000, s0;
	[bflag:$0x2] =	sbarrier.arrive $0xFFFF  }
0xe8: {  	[sflag:s0] =	ssyncadd.tile.s32 @!p0 $0x1;
	_ =	shalt  }
.Lfunc_end2:
_tile_overlayer_lowered:
.L_overlay_start_2:
0xe9: {  	(tag) =	ssettag $0x2  }
0xea: {  	s0 =	rddreg [dreg:$0x0];
	s2 =	stileid.u32  }
0xeb: {  	s1 =	rddreg [dreg:$0x1];
	p0 =	sne.s32 s2, $0x0  }
0xec: {  	s3 =	rddreg [dreg:$0x2];
	[bflag:$0x3] =	sbarrier.arrive $0xFFFF;
	s2 =	simm.s32 @!p0 $0x1C02  }
0xed: {  	[timem:s3], [sflag:s2] =	dma.local @!p0 [hbm:s0], s1  }
0xee: {  	s0 =	simm.s32 @!p0 $0x2  }
0xef: {  	_ =	swait.ge @!p0 [sflag:s0], s1  }
0xf0: {  	s1 =	ssub.s32 @!p0 $0x0, s1;
	[sflag:s0] =	ssyncset.done @!p0 $0x0  }
0xf1: {  	[sflag:s0] =	ssyncadd.s32 @!p0 s1  }
0xf2: {  	[bflag:$0x3] =	sbarrier.arrive $0xFFFF  }
0xf3: {  	_ =	shalt  }

</sc_bundles>
